<compile_context>
chip_gen: v7x
topology: tpu7x:2x2x1
jax: 0.10.2.dev20260603
libtpu: 0.0.44.dev20260713+nightly
codegen_flags: <defaults>
</compile_context>

<pallas_src>
import functools

import jax
import jax.numpy as jnp
from jax import lax
from jax.experimental import pallas as pl
from jax.experimental.pallas import tpu as pltpu
from jax.experimental.pallas import tpu_sc as plsc

T = 8192
B = 4
D = 768
NC = 2
NS = 16
NW = NC * NS
ROWS_PER_W = T // NW
C = 8
LOG2C = C.bit_length() - 1
NCHUNK = ROWS_PER_W // C
NSLOT = 2
LANES = 16
G = D // LANES

_mesh = plsc.VectorSubcoreMesh(core_axis_name="c", subcore_axis_name="s")


@functools.partial(
    pl.kernel,
    mesh=_mesh,
    out_type=jax.ShapeDtypeStruct((T, B, D), jnp.float32),
    scratch_types=(
        [pltpu.VMEM((C, B, D), jnp.float32) for _ in range(2 * NSLOT)]
        + [pltpu.VMEM((C, D), jnp.float32) for _ in range(NSLOT)]
        + [pltpu.SemaphoreType.DMA for _ in range(3 * NSLOT)]
    ),
)
def _pos_add_sc(x_hbm, pos_hbm, out_hbm, *scratch):
    xbuf = scratch[0:NSLOT]
    obuf = scratch[NSLOT:2 * NSLOT]
    pbuf = scratch[2 * NSLOT:3 * NSLOT]
    semx = scratch[3 * NSLOT:4 * NSLOT]
    semp = scratch[4 * NSLOT:5 * NSLOT]
    semo = scratch[5 * NSLOT:6 * NSLOT]

    wid = lax.axis_index("s") * NC + lax.axis_index("c")
    row0 = wid * ROWS_PER_W

    def x_copy(ci, slot):
        r0 = row0 + ci * C
        return pltpu.make_async_copy(
            x_hbm.at[pl.ds(r0, C)], xbuf[slot], semx[slot])

    def p_copy(ci, slot):
        r0 = row0 + ci * C
        return pltpu.make_async_copy(
            pos_hbm.at[pl.ds(r0, C)], pbuf[slot], semp[slot])

    def o_copy(ci, slot):
        r0 = row0 + ci * C
        return pltpu.make_async_copy(
            obuf[slot], out_hbm.at[pl.ds(r0, C)], semo[slot])

    def start_load(ci, slot):
        x_copy(ci, slot).start()
        p_copy(ci, slot).start()

    def compute(slot):
        xb, ob, pb = xbuf[slot], obuf[slot], pbuf[slot]

        @plsc.parallel_loop(0, C * G, unroll=4)
        def _i(i):
            r = i & (C - 1)
            g = i >> LOG2C
            col = g * LANES
            p = pb[r, pl.ds(col, LANES)]
            for b in range(B):
                ob[r, b, pl.ds(col, LANES)] = (
                    xb[r, b, pl.ds(col, LANES)] + p)

    def process(ci, slot):
        @pl.when(ci + 1 < NCHUNK)
        def _():
            start_load(ci + 1, 1 - slot)

        x_copy(ci, slot).wait()
        p_copy(ci, slot).wait()

        @pl.when(ci >= 2)
        def _():
            o_copy(ci - 2, slot).wait()

        compute(slot)
        o_copy(ci, slot).start()

    start_load(0, 0)

    def pair_body(pi, carry):
        ci = pi * 2
        process(ci, 0)
        process(ci + 1, 1)
        return carry

    lax.fori_loop(0, NCHUNK // 2, pair_body, 0)

    o_copy(NCHUNK - 2, (NCHUNK - 2) % NSLOT).wait()
    o_copy(NCHUNK - 1, (NCHUNK - 1) % NSLOT).wait()


def kernel(x, pos_table):
    return _pos_add_sc(x, pos_table)

# --- scband reference (transcript-rebuilt; emitter-appended) ---
"""Pipeline reference for scband-positional-encoding-40948218200114 (READ-ONLY COPY).

The authoritative reference and input builder live on the scoring server;
editing this copy changes nothing except your own understanding.
"""

import jax, jax.numpy as jnp
import numpy as np

TRIAL_LENGTH = 8192
D_MODEL = 768
BATCH = 4

def setup_inputs(seed: int = 0) -> dict:
    key = jax.random.key(seed)
    k1, k2 = jax.random.split(key)
    x = jax.random.normal(k1, (TRIAL_LENGTH, BATCH, D_MODEL), dtype=jnp.float32)
    # learned positional embedding table, sized per init_kwargs (trial_length, d_model)
    pos_table = jax.random.normal(k2, (TRIAL_LENGTH, D_MODEL), dtype=jnp.float32) * 0.02
    return {"x": x, "pos_table": pos_table}

def reference(x, pos_table):
    # pe buffer: position indices arange(trial_length) with trailing unit dim -> [T, 1]
    pe = jnp.arange(TRIAL_LENGTH, dtype=jnp.int32)[:, None]
    # nn.Embedding lookup: table[pe] -> [T, 1, d_model], broadcasts over batch dim of x [T, B, d_model]
    pos_emb = jnp.take(pos_table, pe, axis=0)  # [T, 1, d_model]
    out = x + pos_emb
    # dropout is identity in eval mode
    return out

if __name__ == "__main__":
    import jax
    _d = setup_inputs()
    print(jax.jit(kernel)(*tuple(_d.values())))

</pallas_src>

<mosaic_0001>
#map = affine_map<(d0, d1) -> (0, 0, 0)>
#map1 = affine_map<(d0, d1) -> (0, 0)>
module attributes {stable_mosaic.version = 14 : i64} {
  func.func @_pos_add_sc(%arg0: i32, %arg1: i32, %arg2: memref<8192x4x768xf32, #tpu.memory_space<hbm>>, %arg3: memref<8192x768xf32, #tpu.memory_space<hbm>>, %arg4: memref<8192x4x768xf32, #tpu.memory_space<hbm>>, %arg5: memref<8x4x768xf32, #tpu.memory_space<vmem>>, %arg6: memref<8x4x768xf32, #tpu.memory_space<vmem>>, %arg7: memref<8x4x768xf32, #tpu.memory_space<vmem>>, %arg8: memref<8x4x768xf32, #tpu.memory_space<vmem>>, %arg9: memref<8x768xf32, #tpu.memory_space<vmem>>, %arg10: memref<8x768xf32, #tpu.memory_space<vmem>>, %arg11: memref<!tpu.dma_semaphore, #tpu.memory_space<semaphore_mem>>, %arg12: memref<!tpu.dma_semaphore, #tpu.memory_space<semaphore_mem>>, %arg13: memref<!tpu.dma_semaphore, #tpu.memory_space<semaphore_mem>>, %arg14: memref<!tpu.dma_semaphore, #tpu.memory_space<semaphore_mem>>, %arg15: memref<!tpu.dma_semaphore, #tpu.memory_space<semaphore_mem>>, %arg16: memref<!tpu.dma_semaphore, #tpu.memory_space<semaphore_mem>>) attributes {dimension_semantics = [#tpu.dimension_semantics<core_parallel>, #tpu.dimension_semantics<subcore_parallel>], iteration_bounds = array<i64: 2, 16>, scalar_prefetch = 0 : i64, scratch_operands = 12 : i64, tpu.core_type = #tpu.core_type<sc_vector_subcore>, window_params = [{transform_indices = #map}, {transform_indices = #map1}, {transform_indices = #map}]} {
    %mul3A = arith.constant 2 : i32
    %mul3A_0 = arith.muli %arg1, %mul3A : i32
    %add3A = arith.addi %mul3A_0, %arg0 : i32
    %mul3A_1 = arith.constant 256 : i32
    %mul3A_2 = arith.muli %add3A, %mul3A_1 : i32
    %add3A_3 = arith.constant 0 : i32
    %add3A_4 = arith.addi %mul3A_2, %add3A_3 : i32
    %dma_start3A = arith.constant 0 : i32
    %dma_start3A_5 = arith.constant 0 : i32
    %dma_start3A_6 = tpu.memref_slice %arg2[%add3A_4, %dma_start3A, %dma_start3A_5] : memref<8192x4x768xf32, #tpu.memory_space<hbm>> -> memref<8x4x768xf32, #tpu.memory_space<hbm>>
    %dma_start3A_7 = arith.constant 0 : i32
    %dma_start3A_8 = arith.constant 0 : i32
    %dma_start3A_9 = tpu.memref_slice %arg2[%add3A_4, %dma_start3A_7, %dma_start3A_8] : memref<8192x4x768xf32, #tpu.memory_space<hbm>> -> memref<8x4x768xf32, #tpu.memory_space<hbm>>
    tpu.enqueue_dma source(%dma_start3A_9 : memref<8x4x768xf32, #tpu.memory_space<hbm>>) target(%arg5 : memref<8x4x768xf32, #tpu.memory_space<vmem>>) target_semaphore(%arg11 : memref<!tpu.dma_semaphore, #tpu.memory_space<semaphore_mem>>)
    %add3A_10 = arith.constant 0 : i32
    %add3A_11 = arith.addi %mul3A_2, %add3A_10 : i32
    %dma_start3A_12 = arith.constant 0 : i32
    %dma_start3A_13 = tpu.memref_slice %arg3[%add3A_11, %dma_start3A_12] : memref<8192x768xf32, #tpu.memory_space<hbm>> -> memref<8x768xf32, #tpu.memory_space<hbm>>
    %dma_start3A_14 = arith.constant 0 : i32
    %dma_start3A_15 = tpu.memref_slice %arg3[%add3A_11, %dma_start3A_14] : memref<8192x768xf32, #tpu.memory_space<hbm>> -> memref<8x768xf32, #tpu.memory_space<hbm>>
    tpu.enqueue_dma source(%dma_start3A_15 : memref<8x768xf32, #tpu.memory_space<hbm>>) target(%arg9 : memref<8x768xf32, #tpu.memory_space<vmem>>) target_semaphore(%arg13 : memref<!tpu.dma_semaphore, #tpu.memory_space<semaphore_mem>>)
    %scan3A = arith.constant 0 : i32
    %scan3A_16 = arith.constant 0 : i32
    %scan3A_17 = arith.constant 16 : i32
    %scan3A_18 = arith.addi %scan3A_16, %scan3A_17 : i32
    %scan3A_19 = arith.constant 1 : i32
    scf.for %scan3A_36 = %scan3A_16 to %scan3A_18 step %scan3A_19  : i32 {
      %mul3A_37 = arith.constant 2 : i32
      %mul3A_38 = arith.muli %scan3A_36, %mul3A_37 : i32
      %add3A_39 = arith.constant 1 : i32
      %add3A_40 = arith.addi %mul3A_38, %add3A_39 : i32
      %lt3A = arith.constant 32 : i32
      %lt3A_41 = arith.cmpi slt, %add3A_40, %lt3A : i32
      %convert_element_type3A = arith.extui %lt3A_41 : i1 to i32
      %cond3A = arith.constant 0 : i32
      %cond3A_42 = arith.cmpi ne, %convert_element_type3A, %cond3A : i32
      scf.if %cond3A_42 {
        %add3A_116 = arith.constant 1 : i32
        %add3A_117 = arith.addi %mul3A_38, %add3A_116 : i32
        %mul3A_118 = arith.constant 8 : i32
        %mul3A_119 = arith.muli %add3A_117, %mul3A_118 : i32
        %add3A_120 = arith.addi %mul3A_2, %mul3A_119 : i32
        %dma_start3A_121 = arith.constant 0 : i32
        %dma_start3A_122 = arith.constant 0 : i32
        %dma_start3A_123 = tpu.memref_slice %arg2[%add3A_120, %dma_start3A_121, %dma_start3A_122] : memref<8192x4x768xf32, #tpu.memory_space<hbm>> -> memref<8x4x768xf32, #tpu.memory_space<hbm>>
        %dma_start3A_124 = arith.constant 0 : i32
        %dma_start3A_125 = arith.constant 0 : i32
        %dma_start3A_126 = tpu.memref_slice %arg2[%add3A_120, %dma_start3A_124, %dma_start3A_125] : memref<8192x4x768xf32, #tpu.memory_space<hbm>> -> memref<8x4x768xf32, #tpu.memory_space<hbm>>
        tpu.enqueue_dma source(%dma_start3A_126 : memref<8x4x768xf32, #tpu.memory_space<hbm>>) target(%arg6 : memref<8x4x768xf32, #tpu.memory_space<vmem>>) target_semaphore(%arg12 : memref<!tpu.dma_semaphore, #tpu.memory_space<semaphore_mem>>)
        %mul3A_127 = arith.constant 8 : i32
        %mul3A_128 = arith.muli %add3A_117, %mul3A_127 : i32
        %add3A_129 = arith.addi %mul3A_2, %mul3A_128 : i32
        %dma_start3A_130 = arith.constant 0 : i32
        %dma_start3A_131 = tpu.memref_slice %arg3[%add3A_129, %dma_start3A_130] : memref<8192x768xf32, #tpu.memory_space<hbm>> -> memref<8x768xf32, #tpu.memory_space<hbm>>
        %dma_start3A_132 = arith.constant 0 : i32
        %dma_start3A_133 = tpu.memref_slice %arg3[%add3A_129, %dma_start3A_132] : memref<8192x768xf32, #tpu.memory_space<hbm>> -> memref<8x768xf32, #tpu.memory_space<hbm>>
        tpu.enqueue_dma source(%dma_start3A_133 : memref<8x768xf32, #tpu.memory_space<hbm>>) target(%arg10 : memref<8x768xf32, #tpu.memory_space<vmem>>) target_semaphore(%arg14 : memref<!tpu.dma_semaphore, #tpu.memory_space<semaphore_mem>>)
      } else {
      }
      %mul3A_43 = arith.constant 8 : i32
      %mul3A_44 = arith.muli %mul3A_38, %mul3A_43 : i32
      %add3A_45 = arith.addi %mul3A_2, %mul3A_44 : i32
      %dma_wait3A_46 = arith.constant 0 : i32
      %dma_wait3A_47 = arith.constant 0 : i32
      %dma_wait3A_48 = tpu.memref_slice %arg2[%add3A_45, %dma_wait3A_46, %dma_wait3A_47] : memref<8192x4x768xf32, #tpu.memory_space<hbm>> -> memref<8x4x768xf32, #tpu.memory_space<hbm>>
      %dma_wait3A_49 = arith.constant 0 : i32
      %dma_wait3A_50 = arith.constant 0 : i32
      %dma_wait3A_51 = tpu.memref_slice %arg2[%add3A_45, %dma_wait3A_49, %dma_wait3A_50] : memref<8192x4x768xf32, #tpu.memory_space<hbm>> -> memref<8x4x768xf32, #tpu.memory_space<hbm>>
      tpu.wait_dma2 semaphore(%arg11 : memref<!tpu.dma_semaphore, #tpu.memory_space<semaphore_mem>>) src(%dma_wait3A_51 : memref<8x4x768xf32, #tpu.memory_space<hbm>>) dst(%arg5 : memref<8x4x768xf32, #tpu.memory_space<vmem>>)
      %mul3A_52 = arith.constant 8 : i32
      %mul3A_53 = arith.muli %mul3A_38, %mul3A_52 : i32
      %add3A_54 = arith.addi %mul3A_2, %mul3A_53 : i32
      %dma_wait3A_55 = arith.constant 0 : i32
      %dma_wait3A_56 = tpu.memref_slice %arg3[%add3A_54, %dma_wait3A_55] : memref<8192x768xf32, #tpu.memory_space<hbm>> -> memref<8x768xf32, #tpu.memory_space<hbm>>
      %dma_wait3A_57 = arith.constant 0 : i32
      %dma_wait3A_58 = tpu.memref_slice %arg3[%add3A_54, %dma_wait3A_57] : memref<8192x768xf32, #tpu.memory_space<hbm>> -> memref<8x768xf32, #tpu.memory_space<hbm>>
      tpu.wait_dma2 semaphore(%arg13 : memref<!tpu.dma_semaphore, #tpu.memory_space<semaphore_mem>>) src(%dma_wait3A_58 : memref<8x768xf32, #tpu.memory_space<hbm>>) dst(%arg9 : memref<8x768xf32, #tpu.memory_space<vmem>>)
      %ge3A = arith.constant 2 : i32
      %ge3A_59 = arith.cmpi sge, %mul3A_38, %ge3A : i32
      %convert_element_type3A_60 = arith.extui %ge3A_59 : i1 to i32
      %cond3A_61 = arith.constant 0 : i32
      %cond3A_62 = arith.cmpi ne, %convert_element_type3A_60, %cond3A_61 : i32
      scf.if %cond3A_62 {
        %sub3A = arith.constant 2 : i32
        %sub3A_116 = arith.subi %mul3A_38, %sub3A : i32
        %mul3A_117 = arith.constant 8 : i32
        %mul3A_118 = arith.muli %sub3A_116, %mul3A_117 : i32
        %add3A_119 = arith.addi %mul3A_2, %mul3A_118 : i32
        %dma_wait3A_120 = arith.constant 0 : i32
        %dma_wait3A_121 = arith.constant 0 : i32
        %dma_wait3A_122 = tpu.memref_slice %arg4[%add3A_119, %dma_wait3A_120, %dma_wait3A_121] : memref<8192x4x768xf32, #tpu.memory_space<hbm>> -> memref<8x4x768xf32, #tpu.memory_space<hbm>>
        %dma_wait3A_123 = arith.constant 0 : i32
        %dma_wait3A_124 = arith.constant 0 : i32
        %dma_wait3A_125 = tpu.memref_slice %arg4[%add3A_119, %dma_wait3A_123, %dma_wait3A_124] : memref<8192x4x768xf32, #tpu.memory_space<hbm>> -> memref<8x4x768xf32, #tpu.memory_space<hbm>>
        tpu.wait_dma2 semaphore(%arg15 : memref<!tpu.dma_semaphore, #tpu.memory_space<semaphore_mem>>) src(%arg7 : memref<8x4x768xf32, #tpu.memory_space<vmem>>) dst(%dma_wait3A_125 : memref<8x4x768xf32, #tpu.memory_space<hbm>>)
      } else {
      }
      %parallel_loop3A = arith.constant 0 : i32
      %parallel_loop3A_63 = arith.constant 384 : i32
      %parallel_loop3A_64 = arith.constant 1 : i32
      scf.for %parallel_loop3A_116 = %parallel_loop3A to %parallel_loop3A_63 step %parallel_loop3A_64  : i32 {
        %parallel_loop3A_117 = arith.constant 7 : i32
        %parallel_loop3A_118 = arith.andi %parallel_loop3A_116, %parallel_loop3A_117 : i32
        %parallel_loop3A_119 = arith.constant 3 : i32
        %parallel_loop3A_120 = arith.shrsi %parallel_loop3A_116, %parallel_loop3A_119 : i32
        %parallel_loop3A_121 = arith.constant 16 : i32
        %parallel_loop3A_122 = arith.muli %parallel_loop3A_120, %parallel_loop3A_121 : i32
        %parallel_loop3A_123 = arith.index_cast %parallel_loop3A_118 : i32 to index
        %parallel_loop3A_124 = arith.index_cast %parallel_loop3A_122 : i32 to index
        %parallel_loop3A_125 = tpu.vector_load %arg9[%parallel_loop3A_123, %parallel_loop3A_124] {strides = array<i32>} : memref<8x768xf32, #tpu.memory_space<vmem>>, vector<1x16xf32>,
        %parallel_loop3A_126 = vector.shape_cast %parallel_loop3A_125 : vector<1x16xf32> to vector<16xf32>
        %parallel_loop3A_127 = arith.constant 0 : i32
        %parallel_loop3A_128 = arith.index_cast %parallel_loop3A_118 : i32 to index
        %parallel_loop3A_129 = arith.index_cast %parallel_loop3A_127 : i32 to index
        %parallel_loop3A_130 = arith.index_cast %parallel_loop3A_122 : i32 to index
        %parallel_loop3A_131 = tpu.vector_load %arg5[%parallel_loop3A_128, %parallel_loop3A_129, %parallel_loop3A_130] {strides = array<i32>} : memref<8x4x768xf32, #tpu.memory_space<vmem>>, vector<1x1x16xf32>,
        %parallel_loop3A_132 = vector.shape_cast %parallel_loop3A_131 : vector<1x1x16xf32> to vector<16xf32>
        %parallel_loop3A_133 = arith.addf %parallel_loop3A_132, %parallel_loop3A_126 : vector<16xf32>
        %parallel_loop3A_134 = arith.constant 0 : i32
        %parallel_loop3A_135 = arith.index_cast %parallel_loop3A_118 : i32 to index
        %parallel_loop3A_136 = arith.index_cast %parallel_loop3A_134 : i32 to index
        %parallel_loop3A_137 = arith.index_cast %parallel_loop3A_122 : i32 to index
        %parallel_loop3A_138 = tpu.vector_load %arg7[%parallel_loop3A_135, %parallel_loop3A_136, %parallel_loop3A_137] {strides = array<i32>} : memref<8x4x768xf32, #tpu.memory_space<vmem>>, vector<1x1x16xf32>,
        %parallel_loop3A_139 = vector.shape_cast %parallel_loop3A_138 : vector<1x1x16xf32> to vector<16xf32>
        %parallel_loop3A_140 = vector.shape_cast %parallel_loop3A_133 : vector<16xf32> to vector<1x1x16xf32>
        tpu.vector_store %arg7[%parallel_loop3A_135, %parallel_loop3A_136, %parallel_loop3A_137], %parallel_loop3A_140 {strides = array<i32>} : memref<8x4x768xf32, #tpu.memory_space<vmem>>, vector<1x1x16xf32>,
        %parallel_loop3A_141 = arith.constant 1 : i32
        %parallel_loop3A_142 = arith.index_cast %parallel_loop3A_118 : i32 to index
        %parallel_loop3A_143 = arith.index_cast %parallel_loop3A_141 : i32 to index
        %parallel_loop3A_144 = arith.index_cast %parallel_loop3A_122 : i32 to index
        %parallel_loop3A_145 = tpu.vector_load %arg5[%parallel_loop3A_142, %parallel_loop3A_143, %parallel_loop3A_144] {strides = array<i32>} : memref<8x4x768xf32, #tpu.memory_space<vmem>>, vector<1x1x16xf32>,
        %parallel_loop3A_146 = vector.shape_cast %parallel_loop3A_145 : vector<1x1x16xf32> to vector<16xf32>
        %parallel_loop3A_147 = arith.addf %parallel_loop3A_146, %parallel_loop3A_126 : vector<16xf32>
        %parallel_loop3A_148 = arith.constant 1 : i32
        %parallel_loop3A_149 = arith.index_cast %parallel_loop3A_118 : i32 to index
        %parallel_loop3A_150 = arith.index_cast %parallel_loop3A_148 : i32 to index
        %parallel_loop3A_151 = arith.index_cast %parallel_loop3A_122 : i32 to index
        %parallel_loop3A_152 = tpu.vector_load %arg7[%parallel_loop3A_149, %parallel_loop3A_150, %parallel_loop3A_151] {strides = array<i32>} : memref<8x4x768xf32, #tpu.memory_space<vmem>>, vector<1x1x16xf32>,
        %parallel_loop3A_153 = vector.shape_cast %parallel_loop3A_152 : vector<1x1x16xf32> to vector<16xf32>
        %parallel_loop3A_154 = vector.shape_cast %parallel_loop3A_147 : vector<16xf32> to vector<1x1x16xf32>
        tpu.vector_store %arg7[%parallel_loop3A_149, %parallel_loop3A_150, %parallel_loop3A_151], %parallel_loop3A_154 {strides = array<i32>} : memref<8x4x768xf32, #tpu.memory_space<vmem>>, vector<1x1x16xf32>,
        %parallel_loop3A_155 = arith.constant 2 : i32
        %parallel_loop3A_156 = arith.index_cast %parallel_loop3A_118 : i32 to index
        %parallel_loop3A_157 = arith.index_cast %parallel_loop3A_155 : i32 to index
        %parallel_loop3A_158 = arith.index_cast %parallel_loop3A_122 : i32 to index
        %parallel_loop3A_159 = tpu.vector_load %arg5[%parallel_loop3A_156, %parallel_loop3A_157, %parallel_loop3A_158] {strides = array<i32>} : memref<8x4x768xf32, #tpu.memory_space<vmem>>, vector<1x1x16xf32>,
        %parallel_loop3A_160 = vector.shape_cast %parallel_loop3A_159 : vector<1x1x16xf32> to vector<16xf32>
        %parallel_loop3A_161 = arith.addf %parallel_loop3A_160, %parallel_loop3A_126 : vector<16xf32>
        %parallel_loop3A_162 = arith.constant 2 : i32
        %parallel_loop3A_163 = arith.index_cast %parallel_loop3A_118 : i32 to index
        %parallel_loop3A_164 = arith.index_cast %parallel_loop3A_162 : i32 to index
        %parallel_loop3A_165 = arith.index_cast %parallel_loop3A_122 : i32 to index
        %parallel_loop3A_166 = tpu.vector_load %arg7[%parallel_loop3A_163, %parallel_loop3A_164, %parallel_loop3A_165] {strides = array<i32>} : memref<8x4x768xf32, #tpu.memory_space<vmem>>, vector<1x1x16xf32>,
        %parallel_loop3A_167 = vector.shape_cast %parallel_loop3A_166 : vector<1x1x16xf32> to vector<16xf32>
        %parallel_loop3A_168 = vector.shape_cast %parallel_loop3A_161 : vector<16xf32> to vector<1x1x16xf32>
        tpu.vector_store %arg7[%parallel_loop3A_163, %parallel_loop3A_164, %parallel_loop3A_165], %parallel_loop3A_168 {strides = array<i32>} : memref<8x4x768xf32, #tpu.memory_space<vmem>>, vector<1x1x16xf32>,
        %parallel_loop3A_169 = arith.constant 3 : i32
        %parallel_loop3A_170 = arith.index_cast %parallel_loop3A_118 : i32 to index
        %parallel_loop3A_171 = arith.index_cast %parallel_loop3A_169 : i32 to index
        %parallel_loop3A_172 = arith.index_cast %parallel_loop3A_122 : i32 to index
        %parallel_loop3A_173 = tpu.vector_load %arg5[%parallel_loop3A_170, %parallel_loop3A_171, %parallel_loop3A_172] {strides = array<i32>} : memref<8x4x768xf32, #tpu.memory_space<vmem>>, vector<1x1x16xf32>,
        %parallel_loop3A_174 = vector.shape_cast %parallel_loop3A_173 : vector<1x1x16xf32> to vector<16xf32>
        %parallel_loop3A_175 = arith.addf %parallel_loop3A_174, %parallel_loop3A_126 : vector<16xf32>
        %parallel_loop3A_176 = arith.constant 3 : i32
        %parallel_loop3A_177 = arith.index_cast %parallel_loop3A_118 : i32 to index
        %parallel_loop3A_178 = arith.index_cast %parallel_loop3A_176 : i32 to index
        %parallel_loop3A_179 = arith.index_cast %parallel_loop3A_122 : i32 to index
        %parallel_loop3A_180 = tpu.vector_load %arg7[%parallel_loop3A_177, %parallel_loop3A_178, %parallel_loop3A_179] {strides = array<i32>} : memref<8x4x768xf32, #tpu.memory_space<vmem>>, vector<1x1x16xf32>,
        %parallel_loop3A_181 = vector.shape_cast %parallel_loop3A_180 : vector<1x1x16xf32> to vector<16xf32>
        %parallel_loop3A_182 = vector.shape_cast %parallel_loop3A_175 : vector<16xf32> to vector<1x1x16xf32>
        tpu.vector_store %arg7[%parallel_loop3A_177, %parallel_loop3A_178, %parallel_loop3A_179], %parallel_loop3A_182 {strides = array<i32>} : memref<8x4x768xf32, #tpu.memory_space<vmem>>, vector<1x1x16xf32>,
      } {sc.loop_unroll_factor = 4 : i64, sc.parallel_access}
      %mul3A_65 = arith.constant 8 : i32
      %mul3A_66 = arith.muli %mul3A_38, %mul3A_65 : i32
      %add3A_67 = arith.addi %mul3A_2, %mul3A_66 : i32
      %dma_start3A_68 = arith.constant 0 : i32
      %dma_start3A_69 = arith.constant 0 : i32
      %dma_start3A_70 = tpu.memref_slice %arg4[%add3A_67, %dma_start3A_68, %dma_start3A_69] : memref<8192x4x768xf32, #tpu.memory_space<hbm>> -> memref<8x4x768xf32, #tpu.memory_space<hbm>>
      %dma_start3A_71 = arith.constant 0 : i32
      %dma_start3A_72 = arith.constant 0 : i32
      %dma_start3A_73 = tpu.memref_slice %arg4[%add3A_67, %dma_start3A_71, %dma_start3A_72] : memref<8192x4x768xf32, #tpu.memory_space<hbm>> -> memref<8x4x768xf32, #tpu.memory_space<hbm>>
      tpu.enqueue_dma source(%arg7 : memref<8x4x768xf32, #tpu.memory_space<vmem>>) target(%dma_start3A_73 : memref<8x4x768xf32, #tpu.memory_space<hbm>>) target_semaphore(%arg15 : memref<!tpu.dma_semaphore, #tpu.memory_space<semaphore_mem>>)
      %add3A_74 = arith.constant 1 : i32
      %add3A_75 = arith.addi %mul3A_38, %add3A_74 : i32
      %add3A_76 = arith.constant 1 : i32
      %add3A_77 = arith.addi %add3A_75, %add3A_76 : i32
      %lt3A_78 = arith.constant 32 : i32
      %lt3A_79 = arith.cmpi slt, %add3A_77, %lt3A_78 : i32
      %convert_element_type3A_80 = arith.extui %lt3A_79 : i1 to i32
      %cond3A_81 = arith.constant 0 : i32
      %cond3A_82 = arith.cmpi ne, %convert_element_type3A_80, %cond3A_81 : i32
      scf.if %cond3A_82 {
        %add3A_116 = arith.constant 1 : i32
        %add3A_117 = arith.addi %add3A_75, %add3A_116 : i32
        %mul3A_118 = arith.constant 8 : i32
        %mul3A_119 = arith.muli %add3A_117, %mul3A_118 : i32
        %add3A_120 = arith.addi %mul3A_2, %mul3A_119 : i32
        %dma_start3A_121 = arith.constant 0 : i32
        %dma_start3A_122 = arith.constant 0 : i32
        %dma_start3A_123 = tpu.memref_slice %arg2[%add3A_120, %dma_start3A_121, %dma_start3A_122] : memref<8192x4x768xf32, #tpu.memory_space<hbm>> -> memref<8x4x768xf32, #tpu.memory_space<hbm>>
        %dma_start3A_124 = arith.constant 0 : i32
        %dma_start3A_125 = arith.constant 0 : i32
        %dma_start3A_126 = tpu.memref_slice %arg2[%add3A_120, %dma_start3A_124, %dma_start3A_125] : memref<8192x4x768xf32, #tpu.memory_space<hbm>> -> memref<8x4x768xf32, #tpu.memory_space<hbm>>
        tpu.enqueue_dma source(%dma_start3A_126 : memref<8x4x768xf32, #tpu.memory_space<hbm>>) target(%arg5 : memref<8x4x768xf32, #tpu.memory_space<vmem>>) target_semaphore(%arg11 : memref<!tpu.dma_semaphore, #tpu.memory_space<semaphore_mem>>)
        %mul3A_127 = arith.constant 8 : i32
        %mul3A_128 = arith.muli %add3A_117, %mul3A_127 : i32
        %add3A_129 = arith.addi %mul3A_2, %mul3A_128 : i32
        %dma_start3A_130 = arith.constant 0 : i32
        %dma_start3A_131 = tpu.memref_slice %arg3[%add3A_129, %dma_start3A_130] : memref<8192x768xf32, #tpu.memory_space<hbm>> -> memref<8x768xf32, #tpu.memory_space<hbm>>
        %dma_start3A_132 = arith.constant 0 : i32
        %dma_start3A_133 = tpu.memref_slice %arg3[%add3A_129, %dma_start3A_132] : memref<8192x768xf32, #tpu.memory_space<hbm>> -> memref<8x768xf32, #tpu.memory_space<hbm>>
        tpu.enqueue_dma source(%dma_start3A_133 : memref<8x768xf32, #tpu.memory_space<hbm>>) target(%arg9 : memref<8x768xf32, #tpu.memory_space<vmem>>) target_semaphore(%arg13 : memref<!tpu.dma_semaphore, #tpu.memory_space<semaphore_mem>>)
      } else {
      }
      %mul3A_83 = arith.constant 8 : i32
      %mul3A_84 = arith.muli %add3A_75, %mul3A_83 : i32
      %add3A_85 = arith.addi %mul3A_2, %mul3A_84 : i32
      %dma_wait3A_86 = arith.constant 0 : i32
      %dma_wait3A_87 = arith.constant 0 : i32
      %dma_wait3A_88 = tpu.memref_slice %arg2[%add3A_85, %dma_wait3A_86, %dma_wait3A_87] : memref<8192x4x768xf32, #tpu.memory_space<hbm>> -> memref<8x4x768xf32, #tpu.memory_space<hbm>>
      %dma_wait3A_89 = arith.constant 0 : i32
      %dma_wait3A_90 = arith.constant 0 : i32
      %dma_wait3A_91 = tpu.memref_slice %arg2[%add3A_85, %dma_wait3A_89, %dma_wait3A_90] : memref<8192x4x768xf32, #tpu.memory_space<hbm>> -> memref<8x4x768xf32, #tpu.memory_space<hbm>>
      tpu.wait_dma2 semaphore(%arg12 : memref<!tpu.dma_semaphore, #tpu.memory_space<semaphore_mem>>) src(%dma_wait3A_91 : memref<8x4x768xf32, #tpu.memory_space<hbm>>) dst(%arg6 : memref<8x4x768xf32, #tpu.memory_space<vmem>>)
      %mul3A_92 = arith.constant 8 : i32
      %mul3A_93 = arith.muli %add3A_75, %mul3A_92 : i32
      %add3A_94 = arith.addi %mul3A_2, %mul3A_93 : i32
      %dma_wait3A_95 = arith.constant 0 : i32
      %dma_wait3A_96 = tpu.memref_slice %arg3[%add3A_94, %dma_wait3A_95] : memref<8192x768xf32, #tpu.memory_space<hbm>> -> memref<8x768xf32, #tpu.memory_space<hbm>>
      %dma_wait3A_97 = arith.constant 0 : i32
      %dma_wait3A_98 = tpu.memref_slice %arg3[%add3A_94, %dma_wait3A_97] : memref<8192x768xf32, #tpu.memory_space<hbm>> -> memref<8x768xf32, #tpu.memory_space<hbm>>
      tpu.wait_dma2 semaphore(%arg14 : memref<!tpu.dma_semaphore, #tpu.memory_space<semaphore_mem>>) src(%dma_wait3A_98 : memref<8x768xf32, #tpu.memory_space<hbm>>) dst(%arg10 : memref<8x768xf32, #tpu.memory_space<vmem>>)
      %ge3A_99 = arith.constant 2 : i32
      %ge3A_100 = arith.cmpi sge, %add3A_75, %ge3A_99 : i32
      %convert_element_type3A_101 = arith.extui %ge3A_100 : i1 to i32
      %cond3A_102 = arith.constant 0 : i32
      %cond3A_103 = arith.cmpi ne, %convert_element_type3A_101, %cond3A_102 : i32
      scf.if %cond3A_103 {
        %sub3A = arith.constant 2 : i32
        %sub3A_116 = arith.subi %add3A_75, %sub3A : i32
        %mul3A_117 = arith.constant 8 : i32
        %mul3A_118 = arith.muli %sub3A_116, %mul3A_117 : i32
        %add3A_119 = arith.addi %mul3A_2, %mul3A_118 : i32
        %dma_wait3A_120 = arith.constant 0 : i32
        %dma_wait3A_121 = arith.constant 0 : i32
        %dma_wait3A_122 = tpu.memref_slice %arg4[%add3A_119, %dma_wait3A_120, %dma_wait3A_121] : memref<8192x4x768xf32, #tpu.memory_space<hbm>> -> memref<8x4x768xf32, #tpu.memory_space<hbm>>
        %dma_wait3A_123 = arith.constant 0 : i32
        %dma_wait3A_124 = arith.constant 0 : i32
        %dma_wait3A_125 = tpu.memref_slice %arg4[%add3A_119, %dma_wait3A_123, %dma_wait3A_124] : memref<8192x4x768xf32, #tpu.memory_space<hbm>> -> memref<8x4x768xf32, #tpu.memory_space<hbm>>
        tpu.wait_dma2 semaphore(%arg16 : memref<!tpu.dma_semaphore, #tpu.memory_space<semaphore_mem>>) src(%arg8 : memref<8x4x768xf32, #tpu.memory_space<vmem>>) dst(%dma_wait3A_125 : memref<8x4x768xf32, #tpu.memory_space<hbm>>)
      } else {
      }
      %parallel_loop3A_104 = arith.constant 0 : i32
      %parallel_loop3A_105 = arith.constant 384 : i32
      %parallel_loop3A_106 = arith.constant 1 : i32
      scf.for %parallel_loop3A_116 = %parallel_loop3A_104 to %parallel_loop3A_105 step %parallel_loop3A_106  : i32 {
        %parallel_loop3A_117 = arith.constant 7 : i32
        %parallel_loop3A_118 = arith.andi %parallel_loop3A_116, %parallel_loop3A_117 : i32
        %parallel_loop3A_119 = arith.constant 3 : i32
        %parallel_loop3A_120 = arith.shrsi %parallel_loop3A_116, %parallel_loop3A_119 : i32
        %parallel_loop3A_121 = arith.constant 16 : i32
        %parallel_loop3A_122 = arith.muli %parallel_loop3A_120, %parallel_loop3A_121 : i32
        %parallel_loop3A_123 = arith.index_cast %parallel_loop3A_118 : i32 to index
        %parallel_loop3A_124 = arith.index_cast %parallel_loop3A_122 : i32 to index
        %parallel_loop3A_125 = tpu.vector_load %arg10[%parallel_loop3A_123, %parallel_loop3A_124] {strides = array<i32>} : memref<8x768xf32, #tpu.memory_space<vmem>>, vector<1x16xf32>,
        %parallel_loop3A_126 = vector.shape_cast %parallel_loop3A_125 : vector<1x16xf32> to vector<16xf32>
        %parallel_loop3A_127 = arith.constant 0 : i32
        %parallel_loop3A_128 = arith.index_cast %parallel_loop3A_118 : i32 to index
        %parallel_loop3A_129 = arith.index_cast %parallel_loop3A_127 : i32 to index
        %parallel_loop3A_130 = arith.index_cast %parallel_loop3A_122 : i32 to index
        %parallel_loop3A_131 = tpu.vector_load %arg6[%parallel_loop3A_128, %parallel_loop3A_129, %parallel_loop3A_130] {strides = array<i32>} : memref<8x4x768xf32, #tpu.memory_space<vmem>>, vector<1x1x16xf32>,
        %parallel_loop3A_132 = vector.shape_cast %parallel_loop3A_131 : vector<1x1x16xf32> to vector<16xf32>
        %parallel_loop3A_133 = arith.addf %parallel_loop3A_132, %parallel_loop3A_126 : vector<16xf32>
        %parallel_loop3A_134 = arith.constant 0 : i32
        %parallel_loop3A_135 = arith.index_cast %parallel_loop3A_118 : i32 to index
        %parallel_loop3A_136 = arith.index_cast %parallel_loop3A_134 : i32 to index
        %parallel_loop3A_137 = arith.index_cast %parallel_loop3A_122 : i32 to index
        %parallel_loop3A_138 = tpu.vector_load %arg8[%parallel_loop3A_135, %parallel_loop3A_136, %parallel_loop3A_137] {strides = array<i32>} : memref<8x4x768xf32, #tpu.memory_space<vmem>>, vector<1x1x16xf32>,
        %parallel_loop3A_139 = vector.shape_cast %parallel_loop3A_138 : vector<1x1x16xf32> to vector<16xf32>
        %parallel_loop3A_140 = vector.shape_cast %parallel_loop3A_133 : vector<16xf32> to vector<1x1x16xf32>
        tpu.vector_store %arg8[%parallel_loop3A_135, %parallel_loop3A_136, %parallel_loop3A_137], %parallel_loop3A_140 {strides = array<i32>} : memref<8x4x768xf32, #tpu.memory_space<vmem>>, vector<1x1x16xf32>,
        %parallel_loop3A_141 = arith.constant 1 : i32
        %parallel_loop3A_142 = arith.index_cast %parallel_loop3A_118 : i32 to index
        %parallel_loop3A_143 = arith.index_cast %parallel_loop3A_141 : i32 to index
        %parallel_loop3A_144 = arith.index_cast %parallel_loop3A_122 : i32 to index
        %parallel_loop3A_145 = tpu.vector_load %arg6[%parallel_loop3A_142, %parallel_loop3A_143, %parallel_loop3A_144] {strides = array<i32>} : memref<8x4x768xf32, #tpu.memory_space<vmem>>, vector<1x1x16xf32>,
        %parallel_loop3A_146 = vector.shape_cast %parallel_loop3A_145 : vector<1x1x16xf32> to vector<16xf32>
        %parallel_loop3A_147 = arith.addf %parallel_loop3A_146, %parallel_loop3A_126 : vector<16xf32>
        %parallel_loop3A_148 = arith.constant 1 : i32
        %parallel_loop3A_149 = arith.index_cast %parallel_loop3A_118 : i32 to index
        %parallel_loop3A_150 = arith.index_cast %parallel_loop3A_148 : i32 to index
        %parallel_loop3A_151 = arith.index_cast %parallel_loop3A_122 : i32 to index
        %parallel_loop3A_152 = tpu.vector_load %arg8[%parallel_loop3A_149, %parallel_loop3A_150, %parallel_loop3A_151] {strides = array<i32>} : memref<8x4x768xf32, #tpu.memory_space<vmem>>, vector<1x1x16xf32>,
        %parallel_loop3A_153 = vector.shape_cast %parallel_loop3A_152 : vector<1x1x16xf32> to vector<16xf32>
        %parallel_loop3A_154 = vector.shape_cast %parallel_loop3A_147 : vector<16xf32> to vector<1x1x16xf32>
        tpu.vector_store %arg8[%parallel_loop3A_149, %parallel_loop3A_150, %parallel_loop3A_151], %parallel_loop3A_154 {strides = array<i32>} : memref<8x4x768xf32, #tpu.memory_space<vmem>>, vector<1x1x16xf32>,
        %parallel_loop3A_155 = arith.constant 2 : i32
        %parallel_loop3A_156 = arith.index_cast %parallel_loop3A_118 : i32 to index
        %parallel_loop3A_157 = arith.index_cast %parallel_loop3A_155 : i32 to index
        %parallel_loop3A_158 = arith.index_cast %parallel_loop3A_122 : i32 to index
        %parallel_loop3A_159 = tpu.vector_load %arg6[%parallel_loop3A_156, %parallel_loop3A_157, %parallel_loop3A_158] {strides = array<i32>} : memref<8x4x768xf32, #tpu.memory_space<vmem>>, vector<1x1x16xf32>,
        %parallel_loop3A_160 = vector.shape_cast %parallel_loop3A_159 : vector<1x1x16xf32> to vector<16xf32>
        %parallel_loop3A_161 = arith.addf %parallel_loop3A_160, %parallel_loop3A_126 : vector<16xf32>
        %parallel_loop3A_162 = arith.constant 2 : i32
        %parallel_loop3A_163 = arith.index_cast %parallel_loop3A_118 : i32 to index
        %parallel_loop3A_164 = arith.index_cast %parallel_loop3A_162 : i32 to index
        %parallel_loop3A_165 = arith.index_cast %parallel_loop3A_122 : i32 to index
        %parallel_loop3A_166 = tpu.vector_load %arg8[%parallel_loop3A_163, %parallel_loop3A_164, %parallel_loop3A_165] {strides = array<i32>} : memref<8x4x768xf32, #tpu.memory_space<vmem>>, vector<1x1x16xf32>,
        %parallel_loop3A_167 = vector.shape_cast %parallel_loop3A_166 : vector<1x1x16xf32> to vector<16xf32>
        %parallel_loop3A_168 = vector.shape_cast %parallel_loop3A_161 : vector<16xf32> to vector<1x1x16xf32>
        tpu.vector_store %arg8[%parallel_loop3A_163, %parallel_loop3A_164, %parallel_loop3A_165], %parallel_loop3A_168 {strides = array<i32>} : memref<8x4x768xf32, #tpu.memory_space<vmem>>, vector<1x1x16xf32>,
        %parallel_loop3A_169 = arith.constant 3 : i32
        %parallel_loop3A_170 = arith.index_cast %parallel_loop3A_118 : i32 to index
        %parallel_loop3A_171 = arith.index_cast %parallel_loop3A_169 : i32 to index
        %parallel_loop3A_172 = arith.index_cast %parallel_loop3A_122 : i32 to index
        %parallel_loop3A_173 = tpu.vector_load %arg6[%parallel_loop3A_170, %parallel_loop3A_171, %parallel_loop3A_172] {strides = array<i32>} : memref<8x4x768xf32, #tpu.memory_space<vmem>>, vector<1x1x16xf32>,
        %parallel_loop3A_174 = vector.shape_cast %parallel_loop3A_173 : vector<1x1x16xf32> to vector<16xf32>
        %parallel_loop3A_175 = arith.addf %parallel_loop3A_174, %parallel_loop3A_126 : vector<16xf32>
        %parallel_loop3A_176 = arith.constant 3 : i32
        %parallel_loop3A_177 = arith.index_cast %parallel_loop3A_118 : i32 to index
        %parallel_loop3A_178 = arith.index_cast %parallel_loop3A_176 : i32 to index
        %parallel_loop3A_179 = arith.index_cast %parallel_loop3A_122 : i32 to index
        %parallel_loop3A_180 = tpu.vector_load %arg8[%parallel_loop3A_177, %parallel_loop3A_178, %parallel_loop3A_179] {strides = array<i32>} : memref<8x4x768xf32, #tpu.memory_space<vmem>>, vector<1x1x16xf32>,
        %parallel_loop3A_181 = vector.shape_cast %parallel_loop3A_180 : vector<1x1x16xf32> to vector<16xf32>
        %parallel_loop3A_182 = vector.shape_cast %parallel_loop3A_175 : vector<16xf32> to vector<1x1x16xf32>
        tpu.vector_store %arg8[%parallel_loop3A_177, %parallel_loop3A_178, %parallel_loop3A_179], %parallel_loop3A_182 {strides = array<i32>} : memref<8x4x768xf32, #tpu.memory_space<vmem>>, vector<1x1x16xf32>,
      } {sc.loop_unroll_factor = 4 : i64, sc.parallel_access}
      %mul3A_107 = arith.constant 8 : i32
      %mul3A_108 = arith.muli %add3A_75, %mul3A_107 : i32
      %add3A_109 = arith.addi %mul3A_2, %mul3A_108 : i32
      %dma_start3A_110 = arith.constant 0 : i32
      %dma_start3A_111 = arith.constant 0 : i32
      %dma_start3A_112 = tpu.memref_slice %arg4[%add3A_109, %dma_start3A_110, %dma_start3A_111] : memref<8192x4x768xf32, #tpu.memory_space<hbm>> -> memref<8x4x768xf32, #tpu.memory_space<hbm>>
      %dma_start3A_113 = arith.constant 0 : i32
      %dma_start3A_114 = arith.constant 0 : i32
      %dma_start3A_115 = tpu.memref_slice %arg4[%add3A_109, %dma_start3A_113, %dma_start3A_114] : memref<8192x4x768xf32, #tpu.memory_space<hbm>> -> memref<8x4x768xf32, #tpu.memory_space<hbm>>
      tpu.enqueue_dma source(%arg8 : memref<8x4x768xf32, #tpu.memory_space<vmem>>) target(%dma_start3A_115 : memref<8x4x768xf32, #tpu.memory_space<hbm>>) target_semaphore(%arg16 : memref<!tpu.dma_semaphore, #tpu.memory_space<semaphore_mem>>)
    }
    %scan3A_20 = arith.constant 16 : i32
    %add3A_21 = arith.constant 240 : i32
    %add3A_22 = arith.addi %mul3A_2, %add3A_21 : i32
    %dma_wait3A = arith.constant 0 : i32
    %dma_wait3A_23 = arith.constant 0 : i32
    %dma_wait3A_24 = tpu.memref_slice %arg4[%add3A_22, %dma_wait3A, %dma_wait3A_23] : memref<8192x4x768xf32, #tpu.memory_space<hbm>> -> memref<8x4x768xf32, #tpu.memory_space<hbm>>
    %dma_wait3A_25 = arith.constant 0 : i32
    %dma_wait3A_26 = arith.constant 0 : i32
    %dma_wait3A_27 = tpu.memref_slice %arg4[%add3A_22, %dma_wait3A_25, %dma_wait3A_26] : memref<8192x4x768xf32, #tpu.memory_space<hbm>> -> memref<8x4x768xf32, #tpu.memory_space<hbm>>
    tpu.wait_dma2 semaphore(%arg15 : memref<!tpu.dma_semaphore, #tpu.memory_space<semaphore_mem>>) src(%arg7 : memref<8x4x768xf32, #tpu.memory_space<vmem>>) dst(%dma_wait3A_27 : memref<8x4x768xf32, #tpu.memory_space<hbm>>)
    %add3A_28 = arith.constant 248 : i32
    %add3A_29 = arith.addi %mul3A_2, %add3A_28 : i32
    %dma_wait3A_30 = arith.constant 0 : i32
    %dma_wait3A_31 = arith.constant 0 : i32
    %dma_wait3A_32 = tpu.memref_slice %arg4[%add3A_29, %dma_wait3A_30, %dma_wait3A_31] : memref<8192x4x768xf32, #tpu.memory_space<hbm>> -> memref<8x4x768xf32, #tpu.memory_space<hbm>>
    %dma_wait3A_33 = arith.constant 0 : i32
    %dma_wait3A_34 = arith.constant 0 : i32
    %dma_wait3A_35 = tpu.memref_slice %arg4[%add3A_29, %dma_wait3A_33, %dma_wait3A_34] : memref<8192x4x768xf32, #tpu.memory_space<hbm>> -> memref<8x4x768xf32, #tpu.memory_space<hbm>>
    tpu.wait_dma2 semaphore(%arg16 : memref<!tpu.dma_semaphore, #tpu.memory_space<semaphore_mem>>) src(%arg8 : memref<8x4x768xf32, #tpu.memory_space<vmem>>) dst(%dma_wait3A_35 : memref<8x4x768xf32, #tpu.memory_space<hbm>>)
    return
  }
}

</mosaic_0001>

<sc_bundles>
// kernel: kernel.3.cloned.1.call-start
scs
__scs_entry_jumppad:
0x0: {  	(pc) =	sbr.rel $0x88, $3  }
0x1: {  	(tag) =	ssettag $0x0;
	lr =	simm.s32 $0x1  }
0x2: {  	[smem:$0x3F9F] =	sst lr;
	_ =	strace $0xD0000000  }
0x3: {  	_ = 	snop  }
0x4: {  	_ = 	snop  }
0x5: {  	_ = 	snop  }
0x6: {  	_ = 	snop  }
0x7: {  	_ = 	snop  }
__scs_overlays_trampoline_lowered:
0x8: {  	[smem:$0x3FAE] =	sst s0  }
0x9: {  	[smem:$0x3FAF] =	sst s1  }
0xa: {  	[smem:$0x3FB0] =	sst s2  }
0xb: {  	[smem:$0x3FB1] =	sst s3  }
0xc: {  	[smem:$0x3FB2] =	sst s4  }
0xd: {  	[smem:$0x3FB3] =	sst s5  }
0xe: {  	[smem:$0x3FB4] =	sst s6  }
0xf: {  	[smem:$0x3FB5] =	sst s7  }
0x10: {  	[smem:$0x3FB6] =	sst s8  }
0x11: {  	[smem:$0x3FB7] =	sst s9;
	s0 =	simm.s32 @!p0 $0x0  }
0x12: {  	s1 =	sld [smem:$0x3F9D];
	s0 =	simm.s32 @p0 $0x1  }
0x13: {  	[smem:$0x3FB8] =	sst s0;
	s0 =	simm.s32 @!p1 $0x0  }
0x14: {  	s2 =	sld [smem:$0x3F9C];
	s0 =	simm.s32 @p1 $0x1  }
0x15: {  	[smem:$0x3FB9] =	sst s0;
	s0 =	simm.s32 @!p2 $0x0  }
0x16: {  	s3 =	sld [smem:$0x3FDB];
	s0 =	simm.s32 @p2 $0x1  }
0x17: {  	s4 =	simm.s32 $0x1BF5;
	[smem:$0x3FBB] =	sst s0  }
0x18: {  	s0 =	sld [smem:$0x3F9E];
	_ =	swait.ge [sflag:s4], $0x0  }
0x19: {  	s7 =	sld [smem:$0x3F9F]  }
0x1a: {  	s8 =	sadd.s32 $0xFFFFE003, lr  }
0x1b: {  	s9 =	sadd.s32 $0xFFFFFEF7, lr;
	s5 =	simm.s32 $0xFFFFFFFF;
	p2 =	slt.u32 s8, $0xFFFFF086  }
0x1c: {  	p1 =	slt.u32 s9, $0xF7A;
	s5 =	simm.s32 @!p2 $0x0  }
0x1d: {  	s5 =	simm.s32 @p1 $0x1;
	p0 =	seq.s32 s7, s2  }
0x1e: {  	s7 =	smul.u32 @!p0 $0xF7A, s2;
	p2 =	seq.s32 @!p0 s5, $0x0  }
0x1f: {  	s9 =	smul.u32 $0xF7A, s1;
	s8 =	simm.s32 @!p0 $0x1BF5;
	p2 =	por !p2, p0  }
0x20: {  	[sflag:s8] =	ssyncset.s32 @!p0 $0xFFFFF086;
	s6 =	sadd.s32 @!p0 s3, s7;
	s7 =	simm.s32 @!p0 $0x108  }
0x21: {  	s3 =	sadd.s32 s3, s9;
	s6 =	sadd.s32 @!p0 $0x88, s6;
	s7 =	simm.s32 @p2 $0x1082  }
0x22: {  	[simem:s7], [sflag:s8] =	dma.local @!p0 [hbm:s6], $0xF7A  }
0x23: {  	s9 =	sor.u32 $0xD0000000, s2;
	s6 =	simm.s32 $0x108;
	_ =	swait.ge @!p0 [sflag:s8], $0x0  }
0x24: {  	s3 =	sadd.s32 $0x88, s3;
	s6 =	simm.s32 @!p1 $0x1082;
	[sflag:s4] =	ssyncset.s32 $0xFFFFF086  }
0x25: {  	[simem:s6], [sflag:s4] =	dma.local [hbm:s3], $0xF7A  }
0x26: {  	[smem:$0x3F9F] =	sst s1;
	(tag) =	ssettag s2;
	_ =	strace s9  }
0x27: {  	s1 =	sld [smem:$0x3FAF]  }
0x28: {  	s2 =	sld [smem:$0x3FB0]  }
0x29: {  	s4 =	sld [smem:$0x3FB2]  }
0x2a: {  	p0 =	seq.s32 s5, $0x0;
	s5 =	sld [smem:$0x3FB3]  }
0x2b: {  	s6 =	sld [smem:$0x3FB4]  }
0x2c: {  	s7 =	sld [smem:$0x3FB5]  }
0x2d: {  	s3 =	simm.s32 $0x108;
	s8 =	sld [smem:$0x3FB6]  }
0x2e: {  	s3 =	simm.s32 @!p0 $0x1082;
	s9 =	sld [smem:$0x3FB7]  }
0x2f: {  	lr =	sadd.s32 s0, s3;
	s0 =	sld [smem:$0x3FAE]  }
0x30: {  	s3 =	sld [smem:$0x3FB1]  }
0x31: {  	[smem:$0x3FBA] =	sst s10  }
0x32: {  	s10 =	sld [smem:$0x3FB8];
	_ =	sdelay $0x3  }
0x33: {  	p0 =	seq.s32 s10, $0x1;
	s10 =	sld [smem:$0x3FBA];
	_ =	sdelay $0x3  }
0x34: {  	[smem:$0x3FBA] =	sst s10  }
0x35: {  	s10 =	sld [smem:$0x3FB9];
	_ =	sdelay $0x3  }
0x36: {  	p1 =	seq.s32 s10, $0x1;
	s10 =	sld [smem:$0x3FBA];
	_ =	sdelay $0x3  }
0x37: {  	[smem:$0x3FBA] =	sst s10  }
0x38: {  	s10 =	sld [smem:$0x3FBB]  }
0x39: {  	_ = 	snop;
	(pc) =	sbr.ind lr, $3  }
0x3a: {  	_ = 	snop  }
0x3b: {  	_ = 	snop  }
0x3c: {  	p2 =	seq.s32 s10, $0x1;
	s10 =	sld [smem:$0x3FBA]  }
0x3d: {  	_ =	shalt  }
0x3e: {  	_ =	shalt  }
0x3f: {  	_ =	shalt  }
0x40: {  	_ =	shalt  }
0x41: {  	_ =	shalt  }
0x42: {  	_ =	shalt  }
0x43: {  	_ =	shalt  }
0x44: {  	_ =	shalt  }
0x45: {  	_ =	shalt  }
0x46: {  	_ =	shalt  }
0x47: {  	_ =	shalt  }
0x48: {  	_ =	shalt  }
0x49: {  	_ =	shalt  }
0x4a: {  	_ =	shalt  }
0x4b: {  	_ =	shalt  }
0x4c: {  	_ =	shalt  }
0x4d: {  	_ =	shalt  }
0x4e: {  	_ =	shalt  }
0x4f: {  	_ =	shalt  }
0x50: {  	_ =	shalt  }
0x51: {  	_ =	shalt  }
0x52: {  	_ =	shalt  }
0x53: {  	_ =	shalt  }
0x54: {  	_ =	shalt  }
0x55: {  	_ =	shalt  }
0x56: {  	_ =	shalt  }
0x57: {  	_ =	shalt  }
0x58: {  	_ =	shalt  }
0x59: {  	_ =	shalt  }
0x5a: {  	_ =	shalt  }
0x5b: {  	_ =	shalt  }
0x5c: {  	_ =	shalt  }
0x5d: {  	_ =	shalt  }
0x5e: {  	_ =	shalt  }
0x5f: {  	_ =	shalt  }
0x60: {  	_ =	shalt  }
0x61: {  	_ =	shalt  }
0x62: {  	_ =	shalt  }
0x63: {  	_ =	shalt  }
0x64: {  	_ =	shalt  }
0x65: {  	_ =	shalt  }
0x66: {  	_ =	shalt  }
0x67: {  	_ =	shalt  }
0x68: {  	_ =	shalt  }
0x69: {  	_ =	shalt  }
0x6a: {  	_ =	shalt  }
0x6b: {  	_ =	shalt  }
0x6c: {  	_ =	shalt  }
0x6d: {  	_ =	shalt  }
0x6e: {  	_ =	shalt  }
0x6f: {  	_ =	shalt  }
0x70: {  	_ =	shalt  }
0x71: {  	_ =	shalt  }
0x72: {  	_ =	shalt  }
0x73: {  	_ =	shalt  }
0x74: {  	_ =	shalt  }
0x75: {  	_ =	shalt  }
0x76: {  	_ =	shalt  }
0x77: {  	_ =	shalt  }
0x78: {  	_ =	shalt  }
0x79: {  	_ =	shalt  }
0x7a: {  	_ =	shalt  }
0x7b: {  	_ =	shalt  }
0x7c: {  	_ =	shalt  }
0x7d: {  	_ =	shalt  }
0x7e: {  	_ =	shalt  }
0x7f: {  	_ =	shalt  }
0x80: {  	_ =	shalt  }
0x81: {  	_ =	shalt  }
0x82: {  	_ =	shalt  }
0x83: {  	_ =	shalt  }
0x84: {  	_ =	shalt  }
0x85: {  	_ =	shalt  }
0x86: {  	_ =	shalt  }
0x87: {  	_ =	shalt  }
.Lfunc_end0:
.L_simem_size_0:
called_computation_lowered:
.L_overlay_start_0:
0x88: {  	s2 =	sld [smem:$0x3FD9]  }
0x89: {  	s3 =	sld [smem:$0x3FFE];
	_ =	sdelay $0x1  }
0x8a: {  	s1 =	srdreg.scid  }
0x8b: {  	s0 =	sand.u32 $0x1, s1  }
0x8c: {  	s18 =	sshll.u32 s0, $0xA;
	s2 =	sadd.s32 s3, s2  }
0x8d: {  	s2 =	sadd.s32 s2, s18  }
0x8e: {  	[smem:$0x3FC6] =	sst s2  }
0x8f: {  	_ = 	snop  }
0x90: {  	s2 =	sld [smem:$0x3FC9]  }
0x91: {  	s19 =	sld [smem:$0x3FC8]  }
0x92: {  	s4 =	sld [smem:$0x3FD0];
	(tm) =	ssettm $0x1  }
0x93: {  	s5 =	sld [smem:$0x3FFB];
	_ =	sdelay $0x3  }
0x94: {  	_ =	strace s5  }
0x95: {  	s5 =	sld [smem:$0x3FFC];
	_ =	sdelay $0x3  }
0x96: {  	_ =	strace s5  }
0x97: {  	s5 =	sld [smem:$0x3FFD];
	_ =	sdelay $0x3  }
0x98: {  	_ =	strace s5  }
0x99: {  	_ =	strace $0x8FFFFFFF  }
0x9a: {  	s20 =	sld [smem:$0x3FDB];
	_ =	sdelay $0x1  }
0x9b: {  	s6 =	simm.s32 $_scs_section_size  }
0x9c: {  	s7 =	simm.s32 $_size__tile_overlayer_lowered;
	s8 =	simm.s32 $_tile_overlayer_lowered  }
0x9d: {  	s23 =	simm.s32 $0x1BFF;
	s22 =	sshll.u32 s8, $0x1;
	s5 =	sadd.s32 s6, s20  }
0x9e: {  	s9 =	simm.s32 $0x0;
	s21 =	sshll.u32 s7, $0x1;
	s7 =	sadd.s32 s22, s5  }
0x9f: {  	[timem:s9], [sflag:s23] =	dma.local [hbm:s7], s21  }
0xa0: {  	_ =	swait.ge [sflag:s23], s21  }
0xa1: {  	s6 =	ssub.s32 $0x0, s21;
	[sflag:s23] =	ssyncset.done $0x0  }
0xa2: {  	[sflag:s23] =	ssyncadd.s32 s6;
	_ =	sdelay $0x1  }
0xa3: {  	s24 =	simm.s32 $0x1B8B  }
0xa4: {  	_ =	swait.ge [sflag:s24], $0x1  }
0xa5: {  	[sflag:s24] =	ssyncset.done $0x0  }
0xa6: {  	s25 =	simm.s32 $0x1B8E;
	[sflag:s24] =	ssyncadd.s32 $0xFFFFFFFF  }
0xa7: {  	s26 =	simm.s32 $execute0_lowered;
	[smem:$0x3FD2] =	sst s25  }
0xa8: {  	s6 =	sshll.u32 s26, $0x1;
	_ =	strace $0x80000046;
	[dreg:$0x1] =	wrdreg $0xFFFFFFFF  }
0xa9: {  	s28 =	simm.s32 $_size_execute0_lowered;
	s5 =	sadd.s32 s5, s6;
	[dreg:$0x0] =	wrdreg $0x0  }
0xaa: {  	s6 =	sshll.u32 s28, $0x1;
	[dreg:$0x2] =	wrdreg s5  }
0xab: {  	[dreg:$0x3] =	wrdreg s6  }
0xac: {  	[dreg:$0x4] =	wrdreg $0xC0  }
0xad: {  	_ =	task [dreg:s9], $0x5FFFF  }
0xae: {  	[dreg:$0x1] =	wrdreg $0xFFFFFFFF  }
0xaf: {  	[dreg:$0x0] =	wrdreg $0x60  }
0xb0: {  	[dreg:$0x2] =	wrdreg s2  }
0xb1: {  	[dreg:$0x3] =	wrdreg s19  }
0xb2: {  	[dreg:$0x4] =	wrdreg s4  }
0xb3: {  	[dreg:$0x5] =	wrdreg $0x9  }
0xb4: {  	_ =	task.clear_ibuf [dreg:s9], $0x6FFFF;
	_ =	strace $0x90000046  }
0xb5: {  	s29 =	simm.s32 $0x9;
	_ =	strace $0x80000048  }
0xb6: {  	_ =	swait.ge [sflag:s29], $0x1  }
0xb7: {  	[sflag:s29] =	ssyncadd.s32 $0xFFFFFFFF  }
0xb8: {  	_ =	strace $0x90000048  }
0xb9: {  	_ =	sfence  }
0xba: {  	s30 =	sld [smem:$0x0];
	_ =	sdelay $0x2  }
0xbb: {  	s31 =	sshll.u32 s1, $0xD;
	s1 =	sshrl.u32 s1, $0x2  }
0xbc: {  	s3 =	sand.u32 $0x4000, s31;
	s1 =	sadd.s32 s1, s30  }
0xbd: {  	s0 =	sor.u32 s3, s0;
	s1 =	sshll.u32 s1, $0x11  }
0xbe: {  	s0 =	sor.u32 s1, s0  }
0xbf: {  	s0 =	sadd.s32 $0x8F2B, s0  }
0xc0: {  	[sflag:s0] =	ssyncadd.remote.s32 $0x1  }
0xc1: {  	_ =	sfence.sel $0xFFFF  }
0xc2: {  	[dreg:$0x0] =	wrdreg $0xFFFFFFFF;
	(pc) =	sbr.abs _section_cstart, $3  }
0xc3: {  	[dreg:$0x1] =	wrdreg $0xFFFFFFFF  }
0xc4: {  	_ =	task.clear_ibuf [dreg:s9], $0x2FFFF;
	_ =	strace $0x9FFFFFFF  }
0xc5: {  	(tm) =	ssettm $0x7FFFFFFF  }
tec
execute0_lowered:
.L_overlay_start_1:
0x0: {  	(tag) =	ssettag $0x1  }
0x1: {  	s1 =	rddreg [dreg:$0x0]  }
0x2: {  	s0 =	srdreg.scid;
	s3 =	rddreg [dreg:$0x1]  }
0x3: {  	s2 =	stileid.u32;
	s4 =	rddreg [dreg:$0x2]  }
0x4: {  	s6 =	simm.s32 $0x0;
	s15 =	simm.s32 $0x1;
	s16 =	simm.s32 $0x3  }
0x5: {  	s18 =	simm.s32 $0x2;
	s19 =	simm.s32 $0x4;
	s0 =	sand.u32 $0x1, s0  }
0x6: {  	s2 =	sshll.u32 s2, $0x9;
	s5 =	sshll.u32 s0, $0x8;
	s0 =	ssub.s32 $0x2, s0  }
0x7: {  	s20 =	simm.s32 $0x12000;
	s5 =	sor.u32 s5, s2;
	s8 =	sshrl.u32 s0, $0x1  }
0x8: {  	s2 =	smul.u32 $0x180, s5;
	s7 =	sshrl.u32 s5, $0x3;
	s0 =	ssub.s32 s0, s8  }
0x9: {  	[smem:$0x7FF] =	sst s6;
	s7 =	smul.u32 $0x300, s7;
	s0 =	smax.u32 s0, $0x1  }
0xa: {  	_ =	strace $0x80000047;
	s2 =	sadd.s32 s1, s2;
	[dreg:$0x6] =	wrdreg s0  }
0xb: {  	s9 =	sor.u32 $0x8, s5;
	[dreg:$0x4] =	wrdreg s2;
	s31 =	sadd.s32 s3, s7  }
0xc: {  	s10 =	sor.u32 $0x10, s5;
	s7 =	simm.s32 $0x0;
	[dreg:$0x5] =	wrdreg s31  }
.LBB2_1:
0xd: {  	[dreg:$0x7] =	wrdreg s7  }
0xe: {  	s0 =	rddreg [dreg:$0x4]  }
0xf: {  	[tilespmem:s6], [sflag:$0x1] =	stream.linear.gather [hbm4b:s0+s6], $0x6000, $0x38;
	[tilespmem:$0x1B000] =	vst v63  }
0x10: {  	s31 =	rddreg [dreg:$0x5];
	s2 =	simm.s32 $0x18000;
	s24 =	simm.s32 $0x0  }
0x11: {  	[tilespmem:s2], [sflag:$0x3] =	stream.linear.gather [hbm4b:s31+s6], $0x1800, $0x38;
	[tilespmem:$0x1B000] =	vst v63  }
.LBB2_2:
0x12: {  	s26 =	sshll.u32 s24, $0x4  }
0x13: {  	s0 =	sadd.s32 s9, s26  }
0x14: {  	s25 =	smul.u32 $0x180, s0  }
0x15: {  	s0 =	sshrl.u32 s0, $0x3  }
0x16: {  	s7 =	simm.s32 $0x6000;
	s0 =	smul.u32 $0x300, s0;
	s2 =	sadd.s32 s1, s25  }
0x17: {  	[tilespmem:s7], [sflag:$0x2] =	stream.linear.gather [hbm4b:s2+s6], $0x6000, $0x38;
	[tilespmem:$0x1B000] =	vst v63  }
0x18: {  	s21 =	simm.s32 $0x19800;
	s0 =	sadd.s32 s3, s0  }
0x19: {  	[tilespmem:s21], [sflag:$0x4] =	stream.linear.gather [hbm4b:s0+s6], $0x1800, $0x38;
	[tilespmem:$0x1B000] =	vst v63  }
0x1a: {  	p0 =	seq.s32 s24, $0x0;
	_ =	swait.ge [sflag:s15], $0x6000  }
0x1b: {  	s30 =	simm.s32 $0x0;
	s31 =	simm.s32 $0x0;
	[sflag:s15] =	ssyncset.done $0x0  }
0x1c: {  	s22 =	simm.s32 $0x0;
	s8 =	simm.s32 $0x0;
	[sflag:s15] =	ssyncadd.s32 $0xFFFFA000  }
0x1d: {  	s8 =	sand.u32 $0xFFFFFE00, s8;
	s7 =	sand.u32 $0x4, s30;
	_ =	swait.ge [sflag:s16], $0x1800  }
0x1e: {  	s2 =	sand.u32 $0x3FFFFC00, s22;
	s12 =	sor.u32 $0x3, s7;
	[sflag:s16] =	ssyncset.done $0x0  }
0x1f: {  	s11 =	sadd.s32 $0x18000, s2;
	s0 =	simm.s32 @!p0 $0x5;
	[sflag:s16] =	ssyncadd.s32 $0xFFFFE800  }
0x20: {  	s23 =	sshll.u32 s12, $0x7;
	s12 =	smul.u32 $0xC00, s12;
	_ =	swait.ge @!p0 [sflag:s0], $0x6000  }
0x21: {  	s21 =	sand.u32 $0x70, s31;
	s2 =	sor.u32 s23, s11;
	[sflag:s0] =	ssyncset.done @!p0 $0x0  }
0x22: {  	s2 =	sor.u32 s21, s2;
	s12 =	sadd.s32 s8, s12;
	[sflag:s0] =	ssyncadd.s32 @!p0 $0xFFFFA000  }
0x23: {  	s13 =	sor.u32 $0x1, s7;
	s0 =	sor.u32 s21, s12;
	v8 =	vld [tilespmem:s2+$0x0]  }
0x24: {  	s14 =	smul.u32 $0xC00, s13;
	v5 =	vld [tilespmem:s0+$0x180]  }
0x25: {  	v6 =	vld [tilespmem:s0+$0x0]  }
0x26: {  	s2 =	sadd.s32 s8, s14;
	v10 =	vld [tilespmem:s0+$0x80]  }
0x27: {  	s22 =	sor.u32 $0x2, s7;
	v12 =	vld [tilespmem:s0+$0x100];
	s28 =	sor.u32 s21, s2  }
0x28: {  	s17 =	smul.u32 $0xC00, s22;
	v0 =	vld [tilespmem:s28+$0x0]  }
0x29: {  	v1 =	vld [tilespmem:s28+$0x80]  }
0x2a: {  	s2 =	sadd.s32 s8, s17;
	v2 =	vld [tilespmem:s28+$0x100]  }
0x2b: {  	s29 =	sor.u32 s21, s2;
	v4 =	vld [tilespmem:s28+$0x180]  }
0x2c: {  	s23 =	sshll.u32 s7, $0x7;
	s7 =	smul.u32 $0xC00, s7;
	v3 =	vld [tilespmem:s29+$0x0]  }
0x2d: {  	s22 =	sshll.u32 s22, $0x7;
	s23 =	sor.u32 s23, s11;
	v7 =	vld [tilespmem:s29+$0x80]  }
0x2e: {  	s7 =	sadd.s32 s8, s7;
	s23 =	sor.u32 s21, s23;
	s12 =	sshll.u32 s13, $0x7;
	v11 =	vadd.f32 v5, v8;
	v5 =	vld [tilespmem:s29+$0x100]  }
0x2f: {  	s13 =	sor.u32 s12, s11;
	s11 =	sor.u32 s22, s11;
	s12 =	sor.u32 s21, s7;
	v9 =	vadd.f32 v6, v8;
	v6 =	vld [tilespmem:s29+$0x180]  }
0x30: {  	s8 =	sor.u32 s21, s13;
	s7 =	sor.u32 s21, s11;
	s2 =	sadd.s32 s5, s26;
	[tilespmem:s0+$0xC180] =	vst v11;
	v11 =	vadd.f32 v10, v8;
	v10 =	vadd.f32 v12, v8;
	v8 =	vld [tilespmem:s23+$0x0]  }
.LBB2_3:
0x31: {  	s30 =	sadd.s32 $0x4, s30;
	v12 =	vld [tilespmem:s12+$0x0];
	[tilespmem:s0+$0xC000] =	vst v9  }
0x32: {  	s31 =	sadd.s32 $0x8, s31;
	s11 =	sand.u32 $0x4, s30;
	s13 =	sshll.u32 s30, $0x4;
	v9 =	vld [tilespmem:s12+$0x80];
	[tilespmem:s0+$0xC080] =	vst v11  }
0x33: {  	s21 =	sshll.u32 s30, $0x3;
	s13 =	sand.u32 $0x3FFFFC00, s13;
	s22 =	sor.u32 $0x3, s11;
	v11 =	vld [tilespmem:s12+$0x100];
	[tilespmem:s0+$0xC100] =	vst v10  }
0x34: {  	s13 =	sadd.s32 $0x18000, s13;
	s0 =	sshll.u32 s22, $0x7;
	s22 =	smul.u32 $0xC00, s22;
	v10 =	vld [tilespmem:s12+$0x180]  }
0x35: {  	s23 =	sand.u32 $0x70, s31;
	s21 =	sand.u32 $0xFFFFFE00, s21;
	s0 =	sor.u32 s0, s13;
	v13 =	vld [tilespmem:s8+$0x0]  }
0x36: {  	s8 =	sor.u32 $0x1, s11;
	s0 =	sor.u32 s23, s0;
	s22 =	sadd.s32 s21, s22;
	v12 =	vadd.f32 v12, v8;
	v14 =	vld [tilespmem:s7+$0x0]  }
0x37: {  	s14 =	sor.u32 $0x2, s11;
	s7 =	smul.u32 $0xC00, s8;
	v15 =	vld [tilespmem:s0+$0x0];
	s0 =	sor.u32 s23, s22;
	v9 =	vadd.f32 v9, v8  }
0x38: {  	s8 =	sshll.u32 s8, $0x7;
	s22 =	sshll.u32 s14, $0x7;
	s14 =	smul.u32 $0xC00, s14;
	v16 =	vld [tilespmem:s0+$0x180];
	[tilespmem:s12+$0xC000] =	vst v12;
	v11 =	vadd.f32 v11, v8  }
0x39: {  	s17 =	sshll.u32 s11, $0x7;
	s11 =	smul.u32 $0xC00, s11;
	s7 =	sadd.s32 s21, s7;
	v12 =	vld [tilespmem:s0+$0x0];
	[tilespmem:s12+$0xC080] =	vst v9;
	v8 =	vadd.f32 v10, v8  }
0x3a: {  	s17 =	sor.u32 s17, s13;
	s8 =	sor.u32 s8, s13;
	s14 =	sadd.s32 s21, s14;
	v10 =	vld [tilespmem:s0+$0x80];
	[tilespmem:s12+$0xC100] =	vst v11;
	v9 =	vadd.f32 v0, v13;
	v11 =	vadd.f32 v1, v13  }
0x3b: {  	s11 =	sadd.s32 s21, s11;
	s21 =	sor.u32 s23, s7;
	s7 =	sor.u32 s22, s13;
	v17 =	vld [tilespmem:s0+$0x100];
	[tilespmem:s12+$0xC180] =	vst v8;
	v8 =	vadd.f32 v2, v13;
	v13 =	vadd.f32 v4, v13  }
0x3c: {  	s13 =	sor.u32 s23, s17;
	s12 =	sor.u32 s23, s11;
	s11 =	sor.u32 s23, s14;
	v18 =	vadd.f32 v3, v14;
	v19 =	vadd.f32 v7, v14;
	v0 =	vld [tilespmem:s21+$0x0];
	[tilespmem:s28+$0xC000] =	vst v9  }
0x3d: {  	p1 =	slt.u32 s30, $0x17C;
	s8 =	sor.u32 s23, s8;
	s7 =	sor.u32 s23, s7;
	v1 =	vld [tilespmem:s21+$0x80];
	v3 =	vadd.f32 v16, v15;
	[tilespmem:s28+$0xC080] =	vst v11;
	v16 =	vadd.f32 v5, v14  }
0x3e: {  	v2 =	vld [tilespmem:s21+$0x100];
	v9 =	vadd.f32 v12, v15;
	[tilespmem:s28+$0xC100] =	vst v8;
	v12 =	vadd.f32 v6, v14  }
0x3f: {  	v4 =	vld [tilespmem:s21+$0x180];
	v11 =	vadd.f32 v10, v15;
	[tilespmem:s0+$0xC180] =	vst v3  }
.Ltmp0:
0x40: {  	v3 =	vld [tilespmem:s11+$0x0];
	v10 =	vadd.f32 v17, v15;
	[tilespmem:s28+$0xC180] =	vst v13;
	s28 =	smov.u32 s21;
	(pc) =	sbr.rel @p1 .LBB2_3-.Ltmp0, $4  }
0x41: {  	v7 =	vld [tilespmem:s11+$0x80];
	[tilespmem:s29+$0xC000] =	vst v18  }
0x42: {  	v5 =	vld [tilespmem:s11+$0x100];
	[tilespmem:s29+$0xC080] =	vst v19  }
0x43: {  	v6 =	vld [tilespmem:s11+$0x180];
	[tilespmem:s29+$0xC100] =	vst v16  }
0x44: {  	v8 =	vld [tilespmem:s13+$0x0];
	[tilespmem:s29+$0xC180] =	vst v12;
	s29 =	smov.u32 s11  }
0x45: {  	v12 =	vld [tilespmem:s12+$0x0]  }
0x46: {  	v13 =	vld [tilespmem:s12+$0x80]  }
0x47: {  	[tilespmem:s0+$0xC000] =	vst v9;
	v9 =	vld [tilespmem:s8+$0x0];
	_ =	sdelay $0x2  }
0x48: {  	v14 =	vld [tilespmem:s12+$0x100];
	[tilespmem:s0+$0xC080] =	vst v11;
	v11 =	vadd.f32 v12, v8  }
0x49: {  	v15 =	vld [tilespmem:s12+$0x180];
	[tilespmem:s0+$0xC100] =	vst v10;
	v10 =	vadd.f32 v13, v8  }
0x4a: {  	v0 =	vadd.f32 v0, v9;
	[tilespmem:s12+$0xC000] =	vst v11  }
0x4b: {  	v61 =	vld [tilespmem:s7+$0x0];
	v1 =	vadd.f32 v1, v9;
	[tilespmem:s12+$0xC080] =	vst v10  }
0x4c: {  	v2 =	vadd.f32 v2, v9;
	[tilespmem:s28+$0xC000] =	vst v0  }
0x4d: {  	v11 =	vadd.f32 v14, v8;
	[tilespmem:s28+$0xC080] =	vst v1  }
0x4e: {  	v8 =	vadd.f32 v15, v8;
	[tilespmem:s28+$0xC100] =	vst v2  }
0x4f: {  	v0 =	vadd.f32 v4, v9;
	[tilespmem:s12+$0xC100] =	vst v11  }
0x50: {  	v1 =	vadd.f32 v3, v61;
	[tilespmem:s12+$0xC180] =	vst v8  }
0x51: {  	v2 =	vadd.f32 v7, v61;
	[tilespmem:s28+$0xC180] =	vst v0  }
0x52: {  	v0 =	vadd.f32 v5, v61;
	[tilespmem:s29+$0xC000] =	vst v1  }
0x53: {  	s17 =	smul.u32 $0x180, s2;
	v1 =	vadd.f32 v6, v61;
	[tilespmem:s29+$0xC080] =	vst v2  }
0x54: {  	[tilespmem:s29+$0xC100] =	vst v0  }
0x55: {  	s21 =	simm.s32 $0xC000;
	p1 =	seq.s32 s24, $0xF;
	s0 =	sadd.s32 s4, s17;
	[tilespmem:s29+$0xC180] =	vst v1  }
0x56: {  	[hbm4b:s0+s6] =	stream.linear.scatter [tilespmem:s21], [sflag:$0x5], $0x6000, $0x38;
	[tilespmem:$0x1B000] =	vst v63  }
0x57: {  	s0 =	sadd.s32 @!p1 s26, s10  }
0x58: {  	s2 =	smul.u32 @!p1 $0x180, s0  }
0x59: {  	s0 =	sshrl.u32 @!p1 s0, $0x3  }
0x5a: {  	s7 =	simm.s32 @!p1 $0x0;
	s0 =	smul.u32 @!p1 $0x300, s0;
	s2 =	sadd.s32 @!p1 s1, s2  }
0x5b: {  	[tilespmem:s7], [sflag:$0x1] =	stream.linear.gather @!p1 [hbm4b:s2+s7], $0x6000, $0x38;
	[tilespmem:$0x1B000] =	vst v63  }
0x5c: {  	s0 =	sadd.s32 @!p1 s3, s0;
	s2 =	simm.s32 @!p1 $0x18000  }
0x5d: {  	[tilespmem:s2], [sflag:$0x3] =	stream.linear.gather @!p1 [hbm4b:s0+s7], $0x1800, $0x38;
	[tilespmem:$0x1B000] =	vst v63  }
0x5e: {  	_ =	swait.ge [sflag:s18], $0x6000  }
0x5f: {  	s22 =	simm.s32 $0x0;
	s11 =	simm.s32 $0x0;
	[sflag:s18] =	ssyncset.done $0x0  }
0x60: {  	s8 =	sand.u32 $0x3FFFFC00, s22;
	s11 =	sand.u32 $0xFFFFFE00, s11;
	[sflag:s18] =	ssyncadd.s32 $0xFFFFA000  }
0x61: {  	s8 =	sadd.s32 $0x19800, s8;
	s29 =	simm.s32 $0x0;
	_ =	swait.ge [sflag:s19], $0x1800  }
0x62: {  	s0 =	simm.s32 @!p0 $0x6;
	s7 =	sand.u32 $0x4, s29;
	[sflag:s19] =	ssyncset.done $0x0  }
0x63: {  	s2 =	simm.s32 $0x0;
	s23 =	sor.u32 $0x3, s7;
	[sflag:s19] =	ssyncadd.s32 $0xFFFFE800  }
0x64: {  	s13 =	sshll.u32 s23, $0x7;
	s12 =	smul.u32 $0xC00, s23;
	_ =	swait.ge @!p0 [sflag:s0], $0x6000  }
0x65: {  	s14 =	sand.u32 $0x70, s2;
	s13 =	sor.u32 s13, s8;
	[sflag:s0] =	ssyncset.done @!p0 $0x0  }
0x66: {  	s26 =	sor.u32 s14, s13;
	s12 =	sadd.s32 s11, s12;
	[sflag:s0] =	ssyncadd.s32 @!p0 $0xFFFFA000  }
0x67: {  	s31 =	sor.u32 $0x1, s7;
	s0 =	sor.u32 s14, s12;
	v8 =	vld [tilespmem:s26+$0x0]  }
0x68: {  	s17 =	smul.u32 $0xC00, s31;
	v5 =	vld [tilespmem:s0+$0x6180]  }
0x69: {  	v6 =	vld [tilespmem:s0+$0x6000]  }
0x6a: {  	s12 =	sadd.s32 s11, s17;
	v10 =	vld [tilespmem:s0+$0x6080]  }
0x6b: {  	s17 =	sor.u32 $0x2, s7;
	s26 =	sor.u32 s14, s12;
	v62 =	vld [tilespmem:s0+$0x6100]  }
0x6c: {  	s21 =	smul.u32 $0xC00, s17;
	v0 =	vld [tilespmem:s26+$0x6000]  }
0x6d: {  	v1 =	vld [tilespmem:s26+$0x6080]  }
0x6e: {  	v2 =	vld [tilespmem:s26+$0x6100];
	s12 =	sadd.s32 s11, s21  }
0x6f: {  	v4 =	vld [tilespmem:s26+$0x6180];
	s28 =	sor.u32 s14, s12  }
0x70: {  	s23 =	sshll.u32 s7, $0x7;
	v3 =	vld [tilespmem:s28+$0x6000]  }
0x71: {  	s13 =	sor.u32 s23, s8;
	s7 =	smul.u32 $0xC00, s7;
	v7 =	vld [tilespmem:s28+$0x6080]  }
0x72: {  	s22 =	sshll.u32 s31, $0x7;
	s31 =	sor.u32 s14, s13;
	s17 =	sshll.u32 s17, $0x7;
	v63 =	vadd.f32 v5, v8;
	v5 =	vld [tilespmem:s28+$0x6100]  }
0x73: {  	s7 =	sadd.s32 s11, s7;
	s12 =	sor.u32 s22, s8;
	s8 =	sor.u32 s17, s8;
	v9 =	vadd.f32 v6, v8;
	v6 =	vld [tilespmem:s28+$0x6180]  }
0x74: {  	s30 =	sor.u32 s14, s7;
	s7 =	sor.u32 s14, s12;
	s12 =	sor.u32 s14, s8;
	v11 =	vadd.f32 v10, v8;
	v10 =	vadd.f32 v62, v8;
	v8 =	vld [tilespmem:s31+$0x0];
	[tilespmem:s0+$0x12180] =	vst v63  }
.LBB2_5:
0x75: {  	s29 =	sadd.s32 $0x4, s29;
	v12 =	vld [tilespmem:s30+$0x6000];
	[tilespmem:s0+$0x12000] =	vst v9  }
0x76: {  	s2 =	sadd.s32 $0x8, s2;
	s8 =	sand.u32 $0x4, s29;
	s11 =	sshll.u32 s29, $0x4;
	v9 =	vld [tilespmem:s30+$0x6080];
	[tilespmem:s0+$0x12080] =	vst v11  }
0x77: {  	s13 =	sshll.u32 s29, $0x3;
	s11 =	sand.u32 $0x3FFFFC00, s11;
	s14 =	sor.u32 $0x3, s8;
	v11 =	vld [tilespmem:s30+$0x6100];
	[tilespmem:s0+$0x12100] =	vst v10  }
0x78: {  	s11 =	sadd.s32 $0x19800, s11;
	s0 =	sshll.u32 s14, $0x7;
	s14 =	smul.u32 $0xC00, s14;
	v10 =	vld [tilespmem:s30+$0x6180]  }
0x79: {  	s17 =	sand.u32 $0x70, s2;
	s13 =	sand.u32 $0xFFFFFE00, s13;
	s0 =	sor.u32 s0, s11;
	v13 =	vld [tilespmem:s7+$0x0]  }
0x7a: {  	s7 =	sor.u32 $0x1, s8;
	s0 =	sor.u32 s17, s0;
	s14 =	sadd.s32 s13, s14;
	v12 =	vadd.f32 v12, v8;
	v14 =	vld [tilespmem:s12+$0x0]  }
0x7b: {  	s21 =	sor.u32 $0x2, s8;
	s12 =	smul.u32 $0xC00, s7;
	v15 =	vld [tilespmem:s0+$0x0];
	s0 =	sor.u32 s17, s14;
	v9 =	vadd.f32 v9, v8  }
0x7c: {  	s7 =	sshll.u32 s7, $0x7;
	s14 =	sshll.u32 s21, $0x7;
	s21 =	smul.u32 $0xC00, s21;
	v16 =	vld [tilespmem:s0+$0x6180];
	[tilespmem:s30+$0x12000] =	vst v12;
	v11 =	vadd.f32 v11, v8  }
0x7d: {  	s22 =	sshll.u32 s8, $0x7;
	s8 =	smul.u32 $0xC00, s8;
	s12 =	sadd.s32 s13, s12;
	v12 =	vld [tilespmem:s0+$0x6000];
	[tilespmem:s30+$0x12080] =	vst v9;
	v8 =	vadd.f32 v10, v8  }
0x7e: {  	s22 =	sor.u32 s22, s11;
	s7 =	sor.u32 s7, s11;
	s21 =	sadd.s32 s13, s21;
	v10 =	vld [tilespmem:s0+$0x6080];
	[tilespmem:s30+$0x12100] =	vst v11;
	v9 =	vadd.f32 v0, v13;
	v11 =	vadd.f32 v1, v13  }
0x7f: {  	s8 =	sadd.s32 s13, s8;
	s11 =	sor.u32 s14, s11;
	s13 =	sor.u32 s17, s12;
	v17 =	vld [tilespmem:s0+$0x6100];
	[tilespmem:s30+$0x12180] =	vst v8;
	v8 =	vadd.f32 v2, v13;
	v13 =	vadd.f32 v4, v13  }
0x80: {  	s14 =	sor.u32 s17, s22;
	s30 =	sor.u32 s17, s8;
	s8 =	sor.u32 s17, s21;
	v18 =	vadd.f32 v3, v14;
	v19 =	vadd.f32 v7, v14;
	v0 =	vld [tilespmem:s13+$0x6000];
	[tilespmem:s26+$0x12000] =	vst v9  }
0x81: {  	p0 =	slt.u32 s29, $0x17C;
	s7 =	sor.u32 s17, s7;
	s12 =	sor.u32 s17, s11;
	v1 =	vld [tilespmem:s13+$0x6080];
	v3 =	vadd.f32 v16, v15;
	[tilespmem:s26+$0x12080] =	vst v11;
	v16 =	vadd.f32 v5, v14  }
0x82: {  	v2 =	vld [tilespmem:s13+$0x6100];
	v9 =	vadd.f32 v12, v15;
	[tilespmem:s26+$0x12100] =	vst v8;
	v12 =	vadd.f32 v6, v14  }
0x83: {  	v4 =	vld [tilespmem:s13+$0x6180];
	v11 =	vadd.f32 v10, v15;
	[tilespmem:s0+$0x12180] =	vst v3  }
.Ltmp1:
0x84: {  	v3 =	vld [tilespmem:s8+$0x6000];
	v10 =	vadd.f32 v17, v15;
	[tilespmem:s26+$0x12180] =	vst v13;
	s26 =	smov.u32 s13;
	(pc) =	sbr.rel @p0 .LBB2_5-.Ltmp1, $4  }
0x85: {  	v7 =	vld [tilespmem:s8+$0x6080];
	[tilespmem:s28+$0x12000] =	vst v18  }
0x86: {  	v5 =	vld [tilespmem:s8+$0x6100];
	[tilespmem:s28+$0x12080] =	vst v19  }
0x87: {  	v6 =	vld [tilespmem:s8+$0x6180];
	[tilespmem:s28+$0x12100] =	vst v16  }
0x88: {  	v8 =	vld [tilespmem:s14+$0x0];
	[tilespmem:s28+$0x12180] =	vst v12;
	s28 =	smov.u32 s8  }
0x89: {  	v12 =	vld [tilespmem:s30+$0x6000]  }
0x8a: {  	v13 =	vld [tilespmem:s30+$0x6080]  }
0x8b: {  	v14 =	vld [tilespmem:s30+$0x6100]  }
0x8c: {  	v15 =	vld [tilespmem:s30+$0x6180]  }
0x8d: {  	[tilespmem:s0+$0x12000] =	vst v9;
	v53 =	vld [tilespmem:s7+$0x0]  }
0x8e: {  	[tilespmem:s0+$0x12080] =	vst v11;
	v54 =	vadd.f32 v12, v8  }
0x8f: {  	[tilespmem:s0+$0x12100] =	vst v10;
	v55 =	vadd.f32 v13, v8  }
0x90: {  	v56 =	vadd.f32 v14, v8;
	[tilespmem:s30+$0x12000] =	vst v54  }
0x91: {  	v57 =	vld [tilespmem:s12+$0x0];
	v58 =	vadd.f32 v15, v8;
	[tilespmem:s30+$0x12080] =	vst v55  }
0x92: {  	v0 =	vadd.f32 v0, v53;
	[tilespmem:s30+$0x12100] =	vst v56  }
0x93: {  	v1 =	vadd.f32 v1, v53;
	[tilespmem:s30+$0x12180] =	vst v58  }
0x94: {  	v2 =	vadd.f32 v2, v53;
	[tilespmem:s26+$0x12000] =	vst v0  }
0x95: {  	v59 =	vadd.f32 v4, v53;
	[tilespmem:s26+$0x12080] =	vst v1  }
0x96: {  	s24 =	sadd.s32 $0x1, s24;
	v60 =	vadd.f32 v3, v57;
	[tilespmem:s26+$0x12100] =	vst v2  }
0x97: {  	p0 =	sne.s32 s24, $0x10;
	v61 =	vadd.f32 v7, v57;
	[tilespmem:s26+$0x12180] =	vst v59  }
.Ltmp2:
0x98: {  	v62 =	vadd.f32 v5, v57;
	[tilespmem:s28+$0x12000] =	vst v60;
	(pc) =	sbr.rel @p0 .LBB2_2-.Ltmp2, $4  }
0x99: {  	v63 =	vadd.f32 v6, v57;
	[tilespmem:s28+$0x12080] =	vst v61  }
0x9a: {  	[tilespmem:s28+$0x12100] =	vst v62  }
0x9b: {  	s31 =	sadd.s32 s4, s25;
	[tilespmem:s28+$0x12180] =	vst v63  }
0x9c: {  	[hbm4b:s31+s6] =	stream.linear.scatter [tilespmem:s20], [sflag:$0x6], $0x6000, $0x38;
	[tilespmem:$0x1B000] =	vst v63  }
0x9d: {  	s0 =	simm.s32 $0x5  }
0x9e: {  	_ =	swait.ge [sflag:s0], $0x6000  }
0x9f: {  	[sflag:s0] =	ssyncset.done $0x0  }
0xa0: {  	s2 =	simm.s32 $0x6;
	[sflag:s0] =	ssyncadd.s32 $0xFFFFA000  }
0xa1: {  	_ =	swait.ge [sflag:s2], $0x6000  }
0xa2: {  	s7 =	rddreg [dreg:$0x7]  }
0xa3: {  	s31 =	rddreg [dreg:$0x6];
	s7 =	sadd.s32 $0x1, s7  }
0xa4: {  	p0 =	sne.s32 s7, s31  }
.Ltmp3:
0xa5: {  	_ = 	snop;
	(pc) =	sbr.rel @p0 .LBB2_1-.Ltmp3, $3  }
0xa6: {  	_ =	sdelay $0x1  }
0xa7: {  	[sflag:s2] =	ssyncset.done $0x0  }
0xa8: {  	[sflag:s2] =	ssyncadd.s32 $0xFFFFA000  }
0xa9: {  	_ =	sfence.sel $0x180000  }
0xaa: {  	[bflag:$0x0] =	sbarrier.arrive $0xFFFF  }
0xab: {  	_ =	strace $0x90000047  }
0xac: {  	s0 =	stileid.u32;
	[bflag:$0x2] =	sbarrier.arrive $0xFFFF  }
0xad: {  	p0 =	sne.s32 s0, $0x0;
	s0 =	rddreg [dreg:$0x3]  }
0xae: {  	s0 =	sadd.s32 @!p0 $0x100000, s0  }
0xaf: {  	[sflag:s0] =	ssyncadd.tile.s32 @!p0 $0x1;
	_ =	shalt  }
.Lfunc_end2:
_tile_overlayer_lowered:
.L_overlay_start_2:
0xb0: {  	(tag) =	ssettag $0x2  }
0xb1: {  	s0 =	rddreg [dreg:$0x0];
	s2 =	stileid.u32  }
0xb2: {  	s1 =	rddreg [dreg:$0x1];
	p0 =	sne.s32 s2, $0x0  }
0xb3: {  	s3 =	rddreg [dreg:$0x2];
	[bflag:$0x3] =	sbarrier.arrive $0xFFFF;
	s2 =	simm.s32 @!p0 $0x1C07  }
0xb4: {  	[timem:s3], [sflag:s2] =	dma.local @!p0 [hbm:s0], s1  }
0xb5: {  	s0 =	simm.s32 @!p0 $0x7  }
0xb6: {  	_ =	swait.ge @!p0 [sflag:s0], s1  }
0xb7: {  	s1 =	ssub.s32 @!p0 $0x0, s1;
	[sflag:s0] =	ssyncset.done @!p0 $0x0  }
0xb8: {  	[sflag:s0] =	ssyncadd.s32 @!p0 s1  }
0xb9: {  	[bflag:$0x3] =	sbarrier.arrive $0xFFFF  }
0xba: {  	_ =	shalt  }

</sc_bundles>
